<compile_context>
chip_gen: v7x
topology: tpu7x:2x2x1
jax: 0.10.2.dev20260603
libtpu: 0.0.44.dev20260713+nightly
codegen_flags: <defaults>
</compile_context>

<pallas_src>
import functools

import jax
import jax.numpy as jnp
from jax import lax
from jax.experimental import pallas as pl
from jax.experimental.pallas import tpu as pltpu
from jax.experimental.pallas import tpu_sc as plsc

_B, _L, _F, _C = 64, 1024, 256, 2
_H, _O = 512, 1
_K = 64
_N = _K + 1
_R = 80
_SB = 8


def _select_kernel(cx_ref, cy_ref, len_ref, idx_ref):
    cx = cx_ref[...]
    cy = cy_ref[...]
    dx = cx - cx[:, 0:1]
    dy = cy - cy[:, 0:1]
    d2 = dx * dx + dy * dy
    col = lax.broadcasted_iota(jnp.int32, (_B, _L), 1)
    lens = len_ref[...]
    valid = (col >= 1) & (col < lens)
    inf = jnp.float32(jnp.inf)
    d2 = jnp.where(valid, d2, inf)
    big = jnp.int32(_L)
    colk = lax.broadcasted_iota(jnp.int32, (_B, _R), 1)

    def body(t, carry):
        d2c, idxb = carry
        mval = jnp.min(d2c, axis=1, keepdims=True)
        cand = d2c == mval
        ii = jnp.where(cand, col, big)
        midx = jnp.min(ii, axis=1, keepdims=True)
        pick = col == midx
        d2c = jnp.where(pick, inf, d2c)
        idxb = jnp.where(colk == t + 1, midx, idxb)
        return d2c, idxb

    idx0 = jnp.zeros((_B, _R), jnp.int32)
    _, idxf = lax.fori_loop(0, _K, body, (d2, idx0))
    row = lax.broadcasted_iota(jnp.int32, (_B, _R), 0)
    idx_ref[...] = idxf + row * _L


def _make_gather():
    info = plsc.get_sparse_core_info()
    nc, ns = info.num_cores, info.num_subcores
    nw = nc * ns
    spw = _B // nw
    rows_pw = spw * _R
    mesh = plsc.VectorSubcoreMesh(core_axis_name="c", subcore_axis_name="s")

    @functools.partial(
        pl.kernel, mesh=mesh,
        out_type=jax.ShapeDtypeStruct((_B * _R, _F), jnp.float32),
        scratch_types=[
            pltpu.VMEM((_R,), jnp.int32),
            pltpu.VMEM((rows_pw, _F), jnp.float32),
            pltpu.SemaphoreType.DMA,
        ],
    )
    def gather(table_hbm, idx_hbm, out_hbm, idx_v, rows_v, sem):
        wid = lax.axis_index("s") * nc + lax.axis_index("c")
        for i in range(spw):
            s = wid * spw + i
            pltpu.sync_copy(idx_hbm.at[s], idx_v)
            pltpu.async_copy(table_hbm.at[idx_v],
                             rows_v.at[pl.ds(i * _R, _R)], sem).wait()
        pltpu.sync_copy(rows_v, out_hbm.at[pl.ds(wid * rows_pw, rows_pw)])

    return gather


def _dense_kernel(x_ref, wl1_ref, wr1_ref, bl1_ref, w2l_ref, w2r_ref,
                  bl2_ref, out_ref):
    x3 = x_ref[...]
    rowi = lax.broadcasted_iota(jnp.int32, (_SB, _R, 1), 1)
    node = (rowi < _N).astype(jnp.float32)
    sum_x = jnp.sum(x3 * node, axis=1)
    m1 = jnp.dot(sum_x * (1.0 / _N), wl1_ref[...],
                 preferred_element_type=jnp.float32) + bl1_ref[...]
    g = jnp.dot(x3.reshape(_SB * _R, _F), wr1_ref[...],
                preferred_element_type=jnp.float32)
    h3 = jnp.maximum(g.reshape(_SB, _R, _H) + m1[:, None, :], 0.0)
    t = jnp.sum(h3 * w2l_ref[...][None], axis=2, keepdims=True)
    tsum = jnp.sum(t * node, axis=1)
    h0 = h3[:, 0, :]
    h0w = jnp.sum(h0 * w2r_ref[...], axis=1, keepdims=True)
    out_ref[...] = tsum * (1.0 / _N) + h0w + bl2_ref[...]


def kernel(inputs, coords, targets, input_lengths, Wl1, bl1, Wr1, Wl2, bl2,
           Wr2):
    cx = coords[:, :, 0]
    cy = coords[:, :, 1]
    lens = input_lengths[:, None].astype(jnp.int32)
    idx = pl.pallas_call(
        _select_kernel,
        out_shape=jax.ShapeDtypeStruct((_B, _R), jnp.int32),
    )(cx, cy, lens)

    table = inputs.reshape(_B * _L, _F)
    x_gat = _make_gather()(table, idx)

    out = pl.pallas_call(
        _dense_kernel,
        grid=(_B // _SB,),
        in_specs=[
            pl.BlockSpec((_SB, _R, _F), lambda s: (s, 0, 0)),
            pl.BlockSpec((_F, _H), lambda s: (0, 0)),
            pl.BlockSpec((_F, _H), lambda s: (0, 0)),
            pl.BlockSpec((1, _H), lambda s: (0, 0)),
            pl.BlockSpec((1, _H), lambda s: (0, 0)),
            pl.BlockSpec((1, _H), lambda s: (0, 0)),
            pl.BlockSpec((1, 1), lambda s: (0, 0)),
        ],
        out_specs=pl.BlockSpec((_SB, 1), lambda s: (s, 0)),
        out_shape=jax.ShapeDtypeStruct((_B, 1), jnp.float32),
    )(x_gat.reshape(_B, _R, _F), Wl1.T, Wr1.T, bl1[None, :], Wl2, Wr2,
      bl2[None, :])

    target_head = targets[:, 0, :]
    return out, target_head

# --- scband reference (transcript-rebuilt; emitter-appended) ---
"""Pipeline reference for scband-intp-model-13357348290594 (READ-ONLY COPY).

The authoritative reference and input builder live on the scoring server;
editing this copy changes nothing except your own understanding.
"""

import jax, jax.numpy as jnp
import numpy as np

B, L, F, C = 64, 1024, 256, 2
H, O = 512, 1
K = 64
LENGTH_SCALE = 0.5


def setup_inputs(seed: int = 0):
    key = jax.random.key(seed)
    k1, k2, k3, k4, k5, k6, k7, k8 = jax.random.split(key, 8)
    inputs = jax.random.normal(k1, (B, L, F), dtype=jnp.float32)
    coords = jax.random.uniform(k2, (B, L, C), dtype=jnp.float32)
    targets = jax.random.normal(k3, (B, L, 1), dtype=jnp.float32)
    input_lengths = jnp.clip(jax.random.randint(k4, (B,), 0, L), 128, L).astype(jnp.int32)
    # GraphSAGE params (kaiming-normal init, matching torch SAGEConv: lin_l has bias, lin_r no bias)
    Wl1 = jax.random.normal(k5, (H, F), dtype=jnp.float32) * np.sqrt(2.0 / F)
    bl1 = jnp.zeros((H,), dtype=jnp.float32)
    Wr1 = jax.random.normal(k6, (H, F), dtype=jnp.float32) * np.sqrt(2.0 / F)
    Wl2 = jax.random.normal(k7, (O, H), dtype=jnp.float32) * np.sqrt(2.0 / H)
    bl2 = jnp.zeros((O,), dtype=jnp.float32)
    Wr2 = jax.random.normal(k8, (O, H), dtype=jnp.float32) * np.sqrt(2.0 / H)
    return {"inputs": inputs, "coords": coords, "targets": targets,
            "input_lengths": input_lengths, "Wl1": Wl1, "bl1": bl1, "Wr1": Wr1,
            "Wl2": Wl2, "bl2": bl2, "Wr2": Wr2}


def _sage_conv(x, src, dst, Wl, bl, Wr):
    # SAGEConv: out = lin_l(mean_{j->i} x_j) + lin_r(x_i); edge_weight ignored (as in PyG SAGEConv)
    n = x.shape[0]
    msgs = x[src]
    agg = jnp.zeros((n, x.shape[1]), dtype=x.dtype).at[dst].add(msgs)
    deg = jnp.zeros((n,), dtype=x.dtype).at[dst].add(1.0)
    agg = agg / jnp.clip(deg, 1.0, None)[:, None]
    return agg @ Wl.T + bl + x @ Wr.T


def _build_batched_graph(inputs, coords, targets, lengths):
    all_x, all_y, all_ei, starts = [], [], [], []
    start = 0
    # lengths are clipped to [128, L] in setup_inputs, so kk = min(K, l - 1) = K
    # and n = K + 1 are static for every sample.
    n = K + 1
    for i in range(inputs.shape[0]):
        l = lengths[i]
        inp = inputs[i]
        coo = coords[i]
        tar = targets[i]
        # kNN of head point among the rest (Euclidean, ascending distance like sklearn)
        d2 = jnp.sum((coo[1:] - coo[0]) ** 2, axis=1)
        valid = jnp.arange(coo.shape[0] - 1, dtype=jnp.int32) < (l - 1)
        d2 = jnp.where(valid, d2, jnp.inf)
        _, nbr = jax.lax.top_k(-d2, K)
        nbr = nbr + 1
        inp_new = jnp.concatenate([inp[:1], inp[nbr]], axis=0)
        tar_new = jnp.concatenate([tar[:1], tar[nbr]], axis=0)
        # rbf_kernel values are strictly positive -> nonzero() yields the complete graph in row-major order
        rr = jnp.repeat(jnp.arange(n, dtype=jnp.int32), n)
        cc = jnp.tile(jnp.arange(n, dtype=jnp.int32), n)
        all_ei.append(jnp.stack([rr, cc], axis=0) + start)
        all_x.append(inp_new)
        all_y.append(tar_new)
        starts.append(start)
        start += n
    x = jnp.concatenate(all_x, axis=0)
    y = jnp.concatenate(all_y, axis=0)
    ei = jnp.concatenate(all_ei, axis=1)
    return x, y, ei, jnp.array(starts, dtype=jnp.int32)


def reference(inputs, coords, targets, input_lengths, Wl1, bl1, Wr1, Wl2, bl2, Wr2):
    x, y, ei, starts = _build_batched_graph(inputs, coords, targets, input_lengths)
    src, dst = ei[0], ei[1]
    h = _sage_conv(x, src, dst, Wl1, bl1, Wr1)
    h = jax.nn.relu(h)
    out = _sage_conv(h, src, dst, Wl2, bl2, Wr2)
    # extract_first_element_per_batch == head node (first row) of each per-sample subgraph
    output_head = out[starts]
    target_head = y[starts]
    return output_head, target_head

if __name__ == "__main__":
    import jax
    _d = setup_inputs()
    print(jax.jit(kernel)(*tuple(_d.values())))

</pallas_src>

<mosaic_0001>
#map = affine_map<(d0, d1) -> (0, 0)>
module attributes {stable_mosaic.version = 14 : i64} {
  func.func @gather(%arg0: i32, %arg1: i32, %arg2: memref<65536x256xf32, #tpu.memory_space<hbm>>, %arg3: memref<64x80xi32, #tpu.memory_space<hbm>>, %arg4: memref<5120x256xf32, #tpu.memory_space<hbm>>, %arg5: memref<80xi32, #tpu.memory_space<vmem>>, %arg6: memref<160x256xf32, #tpu.memory_space<vmem>>, %arg7: memref<!tpu.dma_semaphore, #tpu.memory_space<semaphore_mem>>) attributes {dimension_semantics = [#tpu.dimension_semantics<core_parallel>, #tpu.dimension_semantics<subcore_parallel>], iteration_bounds = array<i64: 2, 16>, scalar_prefetch = 0 : i64, scratch_operands = 3 : i64, tpu.core_type = #tpu.core_type<sc_vector_subcore>, window_params = [{transform_indices = #map}, {transform_indices = #map}, {transform_indices = #map}]} {
    %mul3A = arith.constant 2 : i32
    %mul3A_0 = arith.muli %arg1, %mul3A : i32
    %add3A = arith.addi %mul3A_0, %arg0 : i32
    %mul3A_1 = arith.constant 2 : i32
    %mul3A_2 = arith.muli %add3A, %mul3A_1 : i32
    %add3A_3 = arith.constant 0 : i32
    %add3A_4 = arith.addi %mul3A_2, %add3A_3 : i32
    "tpu.region"() ({
      %run_scoped3A = tpu.sem_alloc : memref<!tpu.dma_semaphore, #tpu.memory_space<semaphore_mem>>
      %dma_start3A_33 = arith.constant 0 : i32
      %dma_start3A_34 = tpu.memref_slice %arg3[%add3A_4, %dma_start3A_33] : memref<64x80xi32, #tpu.memory_space<hbm>> -> memref<1x80xi32, #tpu.memory_space<hbm>>
      %dma_start3A_35 = tpu.memref_squeeze %dma_start3A_34 : memref<1x80xi32, #tpu.memory_space<hbm>> -> memref<80xi32, #tpu.memory_space<hbm>>
      %dma_start3A_36 = arith.constant 0 : i32
      %dma_start3A_37 = tpu.memref_slice %arg3[%add3A_4, %dma_start3A_36] : memref<64x80xi32, #tpu.memory_space<hbm>> -> memref<1x80xi32, #tpu.memory_space<hbm>>
      %dma_start3A_38 = tpu.memref_squeeze %dma_start3A_37 : memref<1x80xi32, #tpu.memory_space<hbm>> -> memref<80xi32, #tpu.memory_space<hbm>>
      tpu.enqueue_dma source(%dma_start3A_38 : memref<80xi32, #tpu.memory_space<hbm>>) target(%arg5 : memref<80xi32, #tpu.memory_space<vmem>>) target_semaphore(%run_scoped3A : memref<!tpu.dma_semaphore, #tpu.memory_space<semaphore_mem>>)
      %dma_wait3A_39 = arith.constant 0 : i32
      %dma_wait3A_40 = tpu.memref_slice %arg3[%add3A_4, %dma_wait3A_39] : memref<64x80xi32, #tpu.memory_space<hbm>> -> memref<1x80xi32, #tpu.memory_space<hbm>>
      %dma_wait3A_41 = tpu.memref_squeeze %dma_wait3A_40 : memref<1x80xi32, #tpu.memory_space<hbm>> -> memref<80xi32, #tpu.memory_space<hbm>>
      %dma_wait3A_42 = arith.constant 0 : i32
      %dma_wait3A_43 = tpu.memref_slice %arg3[%add3A_4, %dma_wait3A_42] : memref<64x80xi32, #tpu.memory_space<hbm>> -> memref<1x80xi32, #tpu.memory_space<hbm>>
      %dma_wait3A_44 = tpu.memref_squeeze %dma_wait3A_43 : memref<1x80xi32, #tpu.memory_space<hbm>> -> memref<80xi32, #tpu.memory_space<hbm>>
      tpu.wait_dma2 semaphore(%run_scoped3A : memref<!tpu.dma_semaphore, #tpu.memory_space<semaphore_mem>>) src(%dma_wait3A_44 : memref<80xi32, #tpu.memory_space<hbm>>) dst(%arg5 : memref<80xi32, #tpu.memory_space<vmem>>)
      tpu.yield
    }) : () -> ()
    %dma_start3A = arith.constant 0 : i32
    %dma_start3A_5 = arith.constant 0 : i32
    %dma_start3A_6 = tpu.memref_slice %arg6[%dma_start3A, %dma_start3A_5] : memref<160x256xf32, #tpu.memory_space<vmem>> -> memref<80x256xf32, #tpu.memory_space<vmem>>
    %dma_start3A_7 = arith.constant 0 : i32
    %dma_start3A_8 = arith.constant 0 : i32
    %dma_start3A_9 = tpu.memref_slice %arg2[%dma_start3A_7, %dma_start3A_8] : memref<65536x256xf32, #tpu.memory_space<hbm>> -> memref<65536x256xf32, #tpu.memory_space<hbm>>
    tpu.enqueue_indirect_dma source(%dma_start3A_9 : memref<65536x256xf32, #tpu.memory_space<hbm>>) target(%dma_start3A_6 : memref<80x256xf32, #tpu.memory_space<vmem>>) offsets(%arg5 : memref<80xi32, #tpu.memory_space<vmem>>) semaphore(%arg7 : memref<!tpu.dma_semaphore, #tpu.memory_space<semaphore_mem>>)
    %dma_wait3A = arith.constant 0 : i32
    %dma_wait3A_10 = arith.constant 0 : i32
    %dma_wait3A_11 = tpu.memref_slice %arg6[%dma_wait3A, %dma_wait3A_10] : memref<160x256xf32, #tpu.memory_space<vmem>> -> memref<80x256xf32, #tpu.memory_space<vmem>>
    %dma_wait3A_12 = arith.constant 0 : i32
    %dma_wait3A_13 = arith.constant 0 : i32
    %dma_wait3A_14 = tpu.memref_slice %arg2[%dma_wait3A_12, %dma_wait3A_13] : memref<65536x256xf32, #tpu.memory_space<hbm>> -> memref<65536x256xf32, #tpu.memory_space<hbm>>
    tpu.wait_indirect_dma semaphore(%arg7 : memref<!tpu.dma_semaphore, #tpu.memory_space<semaphore_mem>>) src(%dma_wait3A_14 : memref<65536x256xf32, #tpu.memory_space<hbm>>) dst(%dma_wait3A_11 : memref<80x256xf32, #tpu.memory_space<vmem>>)
    %mul3A_15 = arith.constant 2 : i32
    %mul3A_16 = arith.muli %add3A, %mul3A_15 : i32
    %add3A_17 = arith.constant 1 : i32
    %add3A_18 = arith.addi %mul3A_16, %add3A_17 : i32
    "tpu.region"() ({
      %run_scoped3A = tpu.sem_alloc : memref<!tpu.dma_semaphore, #tpu.memory_space<semaphore_mem>>
      %dma_start3A_33 = arith.constant 0 : i32
      %dma_start3A_34 = tpu.memref_slice %arg3[%add3A_18, %dma_start3A_33] : memref<64x80xi32, #tpu.memory_space<hbm>> -> memref<1x80xi32, #tpu.memory_space<hbm>>
      %dma_start3A_35 = tpu.memref_squeeze %dma_start3A_34 : memref<1x80xi32, #tpu.memory_space<hbm>> -> memref<80xi32, #tpu.memory_space<hbm>>
      %dma_start3A_36 = arith.constant 0 : i32
      %dma_start3A_37 = tpu.memref_slice %arg3[%add3A_18, %dma_start3A_36] : memref<64x80xi32, #tpu.memory_space<hbm>> -> memref<1x80xi32, #tpu.memory_space<hbm>>
      %dma_start3A_38 = tpu.memref_squeeze %dma_start3A_37 : memref<1x80xi32, #tpu.memory_space<hbm>> -> memref<80xi32, #tpu.memory_space<hbm>>
      tpu.enqueue_dma source(%dma_start3A_38 : memref<80xi32, #tpu.memory_space<hbm>>) target(%arg5 : memref<80xi32, #tpu.memory_space<vmem>>) target_semaphore(%run_scoped3A : memref<!tpu.dma_semaphore, #tpu.memory_space<semaphore_mem>>)
      %dma_wait3A_39 = arith.constant 0 : i32
      %dma_wait3A_40 = tpu.memref_slice %arg3[%add3A_18, %dma_wait3A_39] : memref<64x80xi32, #tpu.memory_space<hbm>> -> memref<1x80xi32, #tpu.memory_space<hbm>>
      %dma_wait3A_41 = tpu.memref_squeeze %dma_wait3A_40 : memref<1x80xi32, #tpu.memory_space<hbm>> -> memref<80xi32, #tpu.memory_space<hbm>>
      %dma_wait3A_42 = arith.constant 0 : i32
      %dma_wait3A_43 = tpu.memref_slice %arg3[%add3A_18, %dma_wait3A_42] : memref<64x80xi32, #tpu.memory_space<hbm>> -> memref<1x80xi32, #tpu.memory_space<hbm>>
      %dma_wait3A_44 = tpu.memref_squeeze %dma_wait3A_43 : memref<1x80xi32, #tpu.memory_space<hbm>> -> memref<80xi32, #tpu.memory_space<hbm>>
      tpu.wait_dma2 semaphore(%run_scoped3A : memref<!tpu.dma_semaphore, #tpu.memory_space<semaphore_mem>>) src(%dma_wait3A_44 : memref<80xi32, #tpu.memory_space<hbm>>) dst(%arg5 : memref<80xi32, #tpu.memory_space<vmem>>)
      tpu.yield
    }) : () -> ()
    %dma_start3A_19 = arith.constant 80 : i32
    %dma_start3A_20 = arith.constant 0 : i32
    %dma_start3A_21 = tpu.memref_slice %arg6[%dma_start3A_19, %dma_start3A_20] : memref<160x256xf32, #tpu.memory_space<vmem>> -> memref<80x256xf32, #tpu.memory_space<vmem>>
    %dma_start3A_22 = arith.constant 0 : i32
    %dma_start3A_23 = arith.constant 0 : i32
    %dma_start3A_24 = tpu.memref_slice %arg2[%dma_start3A_22, %dma_start3A_23] : memref<65536x256xf32, #tpu.memory_space<hbm>> -> memref<65536x256xf32, #tpu.memory_space<hbm>>
    tpu.enqueue_indirect_dma source(%dma_start3A_24 : memref<65536x256xf32, #tpu.memory_space<hbm>>) target(%dma_start3A_21 : memref<80x256xf32, #tpu.memory_space<vmem>>) offsets(%arg5 : memref<80xi32, #tpu.memory_space<vmem>>) semaphore(%arg7 : memref<!tpu.dma_semaphore, #tpu.memory_space<semaphore_mem>>)
    %dma_wait3A_25 = arith.constant 80 : i32
    %dma_wait3A_26 = arith.constant 0 : i32
    %dma_wait3A_27 = tpu.memref_slice %arg6[%dma_wait3A_25, %dma_wait3A_26] : memref<160x256xf32, #tpu.memory_space<vmem>> -> memref<80x256xf32, #tpu.memory_space<vmem>>
    %dma_wait3A_28 = arith.constant 0 : i32
    %dma_wait3A_29 = arith.constant 0 : i32
    %dma_wait3A_30 = tpu.memref_slice %arg2[%dma_wait3A_28, %dma_wait3A_29] : memref<65536x256xf32, #tpu.memory_space<hbm>> -> memref<65536x256xf32, #tpu.memory_space<hbm>>
    tpu.wait_indirect_dma semaphore(%arg7 : memref<!tpu.dma_semaphore, #tpu.memory_space<semaphore_mem>>) src(%dma_wait3A_30 : memref<65536x256xf32, #tpu.memory_space<hbm>>) dst(%dma_wait3A_27 : memref<80x256xf32, #tpu.memory_space<vmem>>)
    %mul3A_31 = arith.constant 160 : i32
    %mul3A_32 = arith.muli %add3A, %mul3A_31 : i32
    "tpu.region"() ({
      %run_scoped3A = tpu.sem_alloc : memref<!tpu.dma_semaphore, #tpu.memory_space<semaphore_mem>>
      %dma_start3A_33 = arith.constant 0 : i32
      %dma_start3A_34 = tpu.memref_slice %arg4[%mul3A_32, %dma_start3A_33] : memref<5120x256xf32, #tpu.memory_space<hbm>> -> memref<160x256xf32, #tpu.memory_space<hbm>>
      %dma_start3A_35 = arith.constant 0 : i32
      %dma_start3A_36 = tpu.memref_slice %arg4[%mul3A_32, %dma_start3A_35] : memref<5120x256xf32, #tpu.memory_space<hbm>> -> memref<160x256xf32, #tpu.memory_space<hbm>>
      tpu.enqueue_dma source(%arg6 : memref<160x256xf32, #tpu.memory_space<vmem>>) target(%dma_start3A_36 : memref<160x256xf32, #tpu.memory_space<hbm>>) target_semaphore(%run_scoped3A : memref<!tpu.dma_semaphore, #tpu.memory_space<semaphore_mem>>)
      %dma_wait3A_37 = arith.constant 0 : i32
      %dma_wait3A_38 = tpu.memref_slice %arg4[%mul3A_32, %dma_wait3A_37] : memref<5120x256xf32, #tpu.memory_space<hbm>> -> memref<160x256xf32, #tpu.memory_space<hbm>>
      %dma_wait3A_39 = arith.constant 0 : i32
      %dma_wait3A_40 = tpu.memref_slice %arg4[%mul3A_32, %dma_wait3A_39] : memref<5120x256xf32, #tpu.memory_space<hbm>> -> memref<160x256xf32, #tpu.memory_space<hbm>>
      tpu.wait_dma2 semaphore(%run_scoped3A : memref<!tpu.dma_semaphore, #tpu.memory_space<semaphore_mem>>) src(%arg6 : memref<160x256xf32, #tpu.memory_space<vmem>>) dst(%dma_wait3A_40 : memref<160x256xf32, #tpu.memory_space<hbm>>)
      tpu.yield
    }) : () -> ()
    return
  }
}

module attributes {stable_mosaic.version = 14 : i64} {
  func.func @_select_kernel(%arg0: memref<64x1024xf32, #tpu.memory_space<vmem>>, %arg1: memref<64x1024xf32, #tpu.memory_space<vmem>>, %arg2: memref<64x1xi32, #tpu.memory_space<vmem>>, %arg3: memref<64x80xi32, #tpu.memory_space<vmem>>) attributes {dimension_semantics = [], scalar_prefetch = 0 : i64, scratch_operands = 0 : i64, tpu.core_type = #tpu.core_type<tc>} {
    %get3A = arith.constant 0 : index
    %get3A_0 = arith.constant 0 : index
    %get3A_1 = vector.load %arg0[%get3A, %get3A_0] : memref<64x1024xf32, #tpu.memory_space<vmem>>, vector<64x1024xf32>
    %get3A_2 = arith.constant 0 : index
    %get3A_3 = arith.constant 0 : index
    %get3A_4 = vector.load %arg1[%get3A_2, %get3A_3] : memref<64x1024xf32, #tpu.memory_space<vmem>>, vector<64x1024xf32>
    %slice3A = vector.extract_strided_slice %get3A_1 {offsets = [0, 0], sizes = [64, 1], strides = [1, 1]} : vector<64x1024xf32> to vector<64x1xf32>
    %sub3A = vector.broadcast %slice3A : vector<64x1xf32> to vector<64x1024xf32>
    %sub3A_5 = arith.subf %get3A_1, %sub3A : vector<64x1024xf32>
    %slice3A_6 = vector.extract_strided_slice %get3A_4 {offsets = [0, 0], sizes = [64, 1], strides = [1, 1]} : vector<64x1024xf32> to vector<64x1xf32>
    %sub3A_7 = vector.broadcast %slice3A_6 : vector<64x1xf32> to vector<64x1024xf32>
    %sub3A_8 = arith.subf %get3A_4, %sub3A_7 : vector<64x1024xf32>
    %mul3A = arith.mulf %sub3A_5, %sub3A_5 : vector<64x1024xf32>
    %mul3A_9 = arith.mulf %sub3A_8, %sub3A_8 : vector<64x1024xf32>
    %add3A = arith.addf %mul3A, %mul3A_9 : vector<64x1024xf32>
    %iota3A = tpu.iota {dimensions = array<i32: 1>} : vector<64x1024xi32>
    %get3A_10 = arith.constant 0 : index
    %get3A_11 = arith.constant 0 : index
    %get3A_12 = vector.load %arg2[%get3A_10, %get3A_11] : memref<64x1xi32, #tpu.memory_space<vmem>>, vector<64x1xi32>
    %ge3A = arith.constant 1 : i32
    %ge3A_13 = vector.broadcast %ge3A : i32 to vector<64x1024xi32>
    %ge3A_14 = arith.cmpi sge, %iota3A, %ge3A_13 : vector<64x1024xi32>
    %lt3A = vector.broadcast %get3A_12 : vector<64x1xi32> to vector<64x1024xi32>
    %lt3A_15 = arith.cmpi slt, %iota3A, %lt3A : vector<64x1024xi32>
    %and3A = arith.andi %ge3A_14, %lt3A_15 : vector<64x1024xi1>
    %jit3A = arith.constant 0x7F800000 : f32
    %broadcast_in_dim3A = vector.broadcast %jit3A : f32 to vector<64x1024xf32>
    %select_n3A = arith.select %and3A, %add3A, %broadcast_in_dim3A : vector<64x1024xi1>, vector<64x1024xf32>
    %iota3A_16 = tpu.iota {dimensions = array<i32: 1>} : vector<64x80xi32>
    %broadcast_in_dim3A_17 = arith.constant 0 : i32
    %broadcast_in_dim3A_18 = vector.broadcast %broadcast_in_dim3A_17 : i32 to vector<64x80xi32>
    %scan3A = arith.constant 1024 : i32
    %scan3A_19 = arith.constant 0x7F800000 : f32
    %scan3A_20 = arith.constant 0 : i32
    %scan3A_21 = arith.constant 64 : i32
    %scan3A_22 = arith.addi %scan3A_20, %scan3A_21 : i32
    %scan3A_23 = arith.constant 1 : i32
    %scan3A_24:2 = scf.for %scan3A_33 = %scan3A_20 to %scan3A_22 step %scan3A_23 iter_args(%scan3A_34 = %select_n3A, %scan3A_35 = %broadcast_in_dim3A_18) -> (vector<64x1024xf32>, vector<64x80xi32>)  : i32 {
      %reduce_min3A = arith.constant dense<0x7F800000> : vector<64xf32>
      %reduce_min3A_36 = vector.multi_reduction <minimumf>, %scan3A_34, %reduce_min3A [1] : vector<64x1024xf32> to vector<64xf32>
      %broadcast_in_dim3A_37 = vector.shape_cast %reduce_min3A_36 : vector<64xf32> to vector<64x1xf32>
      %eq3A = vector.broadcast %broadcast_in_dim3A_37 : vector<64x1xf32> to vector<64x1024xf32>
      %eq3A_38 = arith.cmpf oeq, %scan3A_34, %eq3A : vector<64x1024xf32>
      %broadcast_in_dim3A_39 = vector.broadcast %scan3A : i32 to vector<64x1024xi32>
      %select_n3A_40 = arith.select %eq3A_38, %iota3A, %broadcast_in_dim3A_39 : vector<64x1024xi1>, vector<64x1024xi32>
      %reduce_min3A_41 = arith.constant dense<2147483647> : vector<64xi32>
      %reduce_min3A_42 = vector.multi_reduction <minsi>, %select_n3A_40, %reduce_min3A_41 [1] : vector<64x1024xi32> to vector<64xi32>
      %broadcast_in_dim3A_43 = vector.shape_cast %reduce_min3A_42 : vector<64xi32> to vector<64x1xi32>
      %eq3A_44 = vector.broadcast %broadcast_in_dim3A_43 : vector<64x1xi32> to vector<64x1024xi32>
      %eq3A_45 = arith.cmpi eq, %iota3A, %eq3A_44 : vector<64x1024xi32>
      %broadcast_in_dim3A_46 = vector.broadcast %scan3A_19 : f32 to vector<64x1024xf32>
      %select_n3A_47 = arith.select %eq3A_45, %broadcast_in_dim3A_46, %scan3A_34 : vector<64x1024xi1>, vector<64x1024xf32>
      %add3A_48 = arith.constant 1 : i32
      %add3A_49 = arith.addi %scan3A_33, %add3A_48 : i32
      %eq3A_50 = vector.broadcast %add3A_49 : i32 to vector<64x80xi32>
      %eq3A_51 = arith.cmpi eq, %iota3A_16, %eq3A_50 : vector<64x80xi32>
      %broadcast_in_dim3A_52 = vector.shape_cast %broadcast_in_dim3A_43 : vector<64x1xi32> to vector<64x1xi32>
      %broadcast_in_dim3A_53 = vector.broadcast %broadcast_in_dim3A_52 : vector<64x1xi32> to vector<64x80xi32>
      %select_n3A_54 = arith.select %eq3A_51, %broadcast_in_dim3A_53, %scan3A_35 : vector<64x80xi1>, vector<64x80xi32>
      scf.yield %select_n3A_47, %select_n3A_54 : vector<64x1024xf32>, vector<64x80xi32>
    }
    %scan3A_25 = arith.constant 64 : i32
    %iota3A_26 = tpu.iota {dimensions = array<i32: 0>} : vector<64x80xi32>
    %mul3A_27 = arith.constant 1024 : i32
    %mul3A_28 = vector.broadcast %mul3A_27 : i32 to vector<64x80xi32>
    %mul3A_29 = arith.muli %iota3A_26, %mul3A_28 : vector<64x80xi32>
    %add3A_30 = arith.addi %scan3A_24#1, %mul3A_29 : vector<64x80xi32>
    %swap3A = arith.constant 0 : index
    %swap3A_31 = arith.constant 0 : index
    %swap3A_32 = vector.load %arg3[%swap3A, %swap3A_31] : memref<64x80xi32, #tpu.memory_space<vmem>>, vector<64x80xi32>
    tpu.vector_store %arg3[%swap3A, %swap3A_31], %add3A_30 {strides = array<i32>} : memref<64x80xi32, #tpu.memory_space<vmem>>, vector<64x80xi32>,
    return
  }
}

module attributes {stable_mosaic.version = 14 : i64} {
  func.func @_dense_kernel(%arg0: i32, %arg1: memref<8x80x256xf32, #tpu.memory_space<vmem>>, %arg2: memref<256x512xf32, #tpu.memory_space<vmem>>, %arg3: memref<256x512xf32, #tpu.memory_space<vmem>>, %arg4: memref<1x512xf32, #tpu.memory_space<vmem>>, %arg5: memref<1x512xf32, #tpu.memory_space<vmem>>, %arg6: memref<1x512xf32, #tpu.memory_space<vmem>>, %arg7: memref<1x1xf32, #tpu.memory_space<vmem>>, %arg8: memref<8x1xf32, #tpu.memory_space<vmem>>) attributes {dimension_semantics = [#tpu.dimension_semantics<arbitrary>], iteration_bounds = array<i64: 8>, scalar_prefetch = 0 : i64, scratch_operands = 0 : i64, tpu.core_type = #tpu.core_type<tc>, window_params = [{transform_indices = @transform_0, window_bounds = array<i64: 8, 80, 256>}, {pipeline_mode = #tpu.pipeline_mode<synchronous>, transform_indices = @transform_1, window_bounds = array<i64: 256, 512>}, {pipeline_mode = #tpu.pipeline_mode<synchronous>, transform_indices = @transform_2, window_bounds = array<i64: 256, 512>}, {pipeline_mode = #tpu.pipeline_mode<synchronous>, transform_indices = @transform_3, window_bounds = array<i64: 1, 512>}, {pipeline_mode = #tpu.pipeline_mode<synchronous>, transform_indices = @transform_4, window_bounds = array<i64: 1, 512>}, {pipeline_mode = #tpu.pipeline_mode<synchronous>, transform_indices = @transform_5, window_bounds = array<i64: 1, 512>}, {pipeline_mode = #tpu.pipeline_mode<synchronous>, transform_indices = @transform_6, window_bounds = array<i64: 1, 1>}, {transform_indices = @transform_7, window_bounds = array<i64: 8, 1>}]} {
    %get3A = arith.constant 0 : index
    %get3A_0 = arith.constant 0 : index
    %get3A_1 = arith.constant 0 : index
    %get3A_2 = vector.load %arg1[%get3A, %get3A_0, %get3A_1] : memref<8x80x256xf32, #tpu.memory_space<vmem>>, vector<8x80x256xf32>
    %iota3A = tpu.iota {dimensions = array<i32: 1>} : vector<8x80x1xi32>
    %lt3A = arith.constant 65 : i32
    %lt3A_3 = vector.broadcast %lt3A : i32 to vector<8x80x1xi32>
    %lt3A_4 = arith.cmpi slt, %iota3A, %lt3A_3 : vector<8x80x1xi32>
    %convert_element_type3A = arith.extui %lt3A_4 : vector<8x80x1xi1> to vector<8x80x1xi32>
    %convert_element_type3A_5 = arith.sitofp %convert_element_type3A : vector<8x80x1xi32> to vector<8x80x1xf32>
    %mul3A = vector.broadcast %convert_element_type3A_5 : vector<8x80x1xf32> to vector<8x80x256xf32>
    %mul3A_6 = arith.mulf %get3A_2, %mul3A : vector<8x80x256xf32>
    %reduce_sum3A = arith.constant dense<0.000000e+00> : vector<8x256xf32>
    %reduce_sum3A_7 = vector.multi_reduction <add>, %mul3A_6, %reduce_sum3A [1] : vector<8x80x256xf32> to vector<8x256xf32>
    %mul3A_8 = arith.constant 0.0153846154 : f32
    %mul3A_9 = vector.broadcast %mul3A_8 : f32 to vector<8x256xf32>
    %mul3A_10 = arith.mulf %reduce_sum3A_7, %mul3A_9 : vector<8x256xf32>
    %get3A_11 = arith.constant 0 : index
    %get3A_12 = arith.constant 0 : index
    %get3A_13 = vector.load %arg2[%get3A_11, %get3A_12] : memref<256x512xf32, #tpu.memory_space<vmem>>, vector<256x512xf32>
    %dot_general3A = arith.constant dense<0.000000e+00> : vector<8x512xf32>
    %dot_general3A_14 = tpu.matmul %mul3A_10, %get3A_13, %dot_general3A {dimension_numbers = #tpu.dot_dimension_numbers<[1], [0], [0], [1], [0, 0, 1, 1], [], []>, transpose_lhs_hint = false} : vector<8x256xf32>, vector<256x512xf32>, vector<8x512xf32> -> vector<8x512xf32>
    %get3A_15 = arith.constant 0 : index
    %get3A_16 = arith.constant 0 : index
    %get3A_17 = vector.load %arg4[%get3A_15, %get3A_16] : memref<1x512xf32, #tpu.memory_space<vmem>>, vector<1x512xf32>
    %add3A = vector.broadcast %get3A_17 : vector<1x512xf32> to vector<8x512xf32>
    %add3A_18 = arith.addf %dot_general3A_14, %add3A : vector<8x512xf32>
    %reshape3A = vector.shape_cast %get3A_2 : vector<8x80x256xf32> to vector<640x256xf32>
    %get3A_19 = arith.constant 0 : index
    %get3A_20 = arith.constant 0 : index
    %get3A_21 = vector.load %arg3[%get3A_19, %get3A_20] : memref<256x512xf32, #tpu.memory_space<vmem>>, vector<256x512xf32>
    %dot_general3A_22 = arith.constant dense<0.000000e+00> : vector<640x512xf32>
    %dot_general3A_23 = tpu.matmul %reshape3A, %get3A_21, %dot_general3A_22 {dimension_numbers = #tpu.dot_dimension_numbers<[1], [0], [0], [1], [0, 0, 1, 1], [], []>, transpose_lhs_hint = false} : vector<640x256xf32>, vector<256x512xf32>, vector<640x512xf32> -> vector<640x512xf32>
    %reshape3A_24 = vector.shape_cast %dot_general3A_23 : vector<640x512xf32> to vector<8x80x512xf32>
    %broadcast_in_dim3A = vector.shape_cast %add3A_18 : vector<8x512xf32> to vector<8x1x512xf32>
    %add3A_25 = vector.broadcast %broadcast_in_dim3A : vector<8x1x512xf32> to vector<8x80x512xf32>
    %add3A_26 = arith.addf %reshape3A_24, %add3A_25 : vector<8x80x512xf32>
    %max3A = arith.constant 0.000000e+00 : f32
    %max3A_27 = vector.broadcast %max3A : f32 to vector<8x80x512xf32>
    %max3A_28 = arith.maximumf %add3A_26, %max3A_27 : vector<8x80x512xf32>
    %get3A_29 = arith.constant 0 : index
    %get3A_30 = arith.constant 0 : index
    %get3A_31 = vector.load %arg5[%get3A_29, %get3A_30] : memref<1x512xf32, #tpu.memory_space<vmem>>, vector<1x512xf32>
    %broadcast_in_dim3A_32 = vector.shape_cast %get3A_31 : vector<1x512xf32> to vector<1x1x512xf32>
    %mul3A_33 = vector.broadcast %broadcast_in_dim3A_32 : vector<1x1x512xf32> to vector<8x80x512xf32>
    %mul3A_34 = arith.mulf %max3A_28, %mul3A_33 : vector<8x80x512xf32>
    %reduce_sum3A_35 = arith.constant dense<0.000000e+00> : vector<8x80xf32>
    %reduce_sum3A_36 = vector.multi_reduction <add>, %mul3A_34, %reduce_sum3A_35 [2] : vector<8x80x512xf32> to vector<8x80xf32>
    %broadcast_in_dim3A_37 = vector.shape_cast %reduce_sum3A_36 : vector<8x80xf32> to vector<8x80x1xf32>
    %mul3A_38 = arith.mulf %broadcast_in_dim3A_37, %convert_element_type3A_5 : vector<8x80x1xf32>
    %reduce_sum3A_39 = arith.constant dense<0.000000e+00> : vector<8x1xf32>
    %reduce_sum3A_40 = vector.multi_reduction <add>, %mul3A_38, %reduce_sum3A_39 [1] : vector<8x80x1xf32> to vector<8x1xf32>
    %slice3A = vector.extract_strided_slice %max3A_28 {offsets = [0, 0, 0], sizes = [8, 1, 512], strides = [1, 1, 1]} : vector<8x80x512xf32> to vector<8x1x512xf32>
    %squeeze3A = vector.shape_cast %slice3A : vector<8x1x512xf32> to vector<8x512xf32>
    %get3A_41 = arith.constant 0 : index
    %get3A_42 = arith.constant 0 : index
    %get3A_43 = vector.load %arg6[%get3A_41, %get3A_42] : memref<1x512xf32, #tpu.memory_space<vmem>>, vector<1x512xf32>
    %mul3A_44 = vector.broadcast %get3A_43 : vector<1x512xf32> to vector<8x512xf32>
    %mul3A_45 = arith.mulf %squeeze3A, %mul3A_44 : vector<8x512xf32>
    %reduce_sum3A_46 = arith.constant dense<0.000000e+00> : vector<8xf32>
    %reduce_sum3A_47 = vector.multi_reduction <add>, %mul3A_45, %reduce_sum3A_46 [1] : vector<8x512xf32> to vector<8xf32>
    %broadcast_in_dim3A_48 = vector.shape_cast %reduce_sum3A_47 : vector<8xf32> to vector<8x1xf32>
    %mul3A_49 = arith.constant 0.0153846154 : f32
    %mul3A_50 = vector.broadcast %mul3A_49 : f32 to vector<8x1xf32>
    %mul3A_51 = arith.mulf %reduce_sum3A_40, %mul3A_50 : vector<8x1xf32>
    %add3A_52 = arith.addf %mul3A_51, %broadcast_in_dim3A_48 : vector<8x1xf32>
    %get3A_53 = arith.constant 0 : index
    %get3A_54 = arith.constant 0 : index
    %get3A_55 = vector.load %arg7[%get3A_53, %get3A_54] : memref<1x1xf32, #tpu.memory_space<vmem>>, vector<1x1xf32>
    %add3A_56 = vector.broadcast %get3A_55 : vector<1x1xf32> to vector<8x1xf32>
    %add3A_57 = arith.addf %add3A_52, %add3A_56 : vector<8x1xf32>
    %swap3A = arith.constant 0 : index
    %swap3A_58 = arith.constant 0 : index
    %swap3A_59 = vector.load %arg8[%swap3A, %swap3A_58] : memref<8x1xf32, #tpu.memory_space<vmem>>, vector<8x1xf32>
    tpu.vector_store %arg8[%swap3A, %swap3A_58], %add3A_57 {strides = array<i32>} : memref<8x1xf32, #tpu.memory_space<vmem>>, vector<8x1xf32>,
    return
  }
  func.func @transform_0(%arg0: i32) -> (i32, i32, i32) {
    %c0_i32 = arith.constant 0 : i32
    %c0_i32_0 = arith.constant 0 : i32
    %c0_i32_1 = arith.constant 0 : i32
    return %arg0, %c0_i32, %c0_i32_0 : i32, i32, i32
  }
  func.func @transform_1(%arg0: i32) -> (i32, i32) {
    %c0_i32 = arith.constant 0 : i32
    %c0_i32_0 = arith.constant 0 : i32
    %c0_i32_1 = arith.constant 0 : i32
    return %c0_i32, %c0_i32_0 : i32, i32
  }
  func.func @transform_2(%arg0: i32) -> (i32, i32) {
    %c0_i32 = arith.constant 0 : i32
    %c0_i32_0 = arith.constant 0 : i32
    %c0_i32_1 = arith.constant 0 : i32
    return %c0_i32, %c0_i32_0 : i32, i32
  }
  func.func @transform_3(%arg0: i32) -> (i32, i32) {
    %c0_i32 = arith.constant 0 : i32
    %c0_i32_0 = arith.constant 0 : i32
    %c0_i32_1 = arith.constant 0 : i32
    return %c0_i32, %c0_i32_0 : i32, i32
  }
  func.func @transform_4(%arg0: i32) -> (i32, i32) {
    %c0_i32 = arith.constant 0 : i32
    %c0_i32_0 = arith.constant 0 : i32
    %c0_i32_1 = arith.constant 0 : i32
    return %c0_i32, %c0_i32_0 : i32, i32
  }
  func.func @transform_5(%arg0: i32) -> (i32, i32) {
    %c0_i32 = arith.constant 0 : i32
    %c0_i32_0 = arith.constant 0 : i32
    %c0_i32_1 = arith.constant 0 : i32
    return %c0_i32, %c0_i32_0 : i32, i32
  }
  func.func @transform_6(%arg0: i32) -> (i32, i32) {
    %c0_i32 = arith.constant 0 : i32
    %c0_i32_0 = arith.constant 0 : i32
    %c0_i32_1 = arith.constant 0 : i32
    return %c0_i32, %c0_i32_0 : i32, i32
  }
  func.func @transform_7(%arg0: i32) -> (i32, i32) {
    %c0_i32 = arith.constant 0 : i32
    %c0_i32_0 = arith.constant 0 : i32
    return %arg0, %c0_i32 : i32, i32
  }
}

</mosaic_0001>

<sc_bundles>
// kernel: kernel.5.cloned.1.call-start
scs
__scs_entry_jumppad:
0x0: {  	(pc) =	sbr.rel $0x88, $3  }
0x1: {  	(tag) =	ssettag $0x0;
	lr =	simm.s32 $0x1  }
0x2: {  	[smem:$0x3F97] =	sst lr;
	_ =	strace $0xD0000000  }
0x3: {  	_ = 	snop  }
0x4: {  	_ = 	snop  }
0x5: {  	_ = 	snop  }
0x6: {  	_ = 	snop  }
0x7: {  	_ = 	snop  }
__scs_overlays_trampoline_lowered:
0x8: {  	[smem:$0x3FA6] =	sst s0  }
0x9: {  	[smem:$0x3FA7] =	sst s1  }
0xa: {  	[smem:$0x3FA8] =	sst s2  }
0xb: {  	[smem:$0x3FA9] =	sst s3  }
0xc: {  	[smem:$0x3FAA] =	sst s4  }
0xd: {  	[smem:$0x3FAB] =	sst s5  }
0xe: {  	[smem:$0x3FAC] =	sst s6  }
0xf: {  	[smem:$0x3FAD] =	sst s7  }
0x10: {  	[smem:$0x3FAE] =	sst s8  }
0x11: {  	[smem:$0x3FAF] =	sst s9;
	s0 =	simm.s32 @!p0 $0x0  }
0x12: {  	s1 =	sld [smem:$0x3F95];
	s0 =	simm.s32 @p0 $0x1  }
0x13: {  	[smem:$0x3FB0] =	sst s0;
	s0 =	simm.s32 @!p1 $0x0  }
0x14: {  	s2 =	sld [smem:$0x3F94];
	s0 =	simm.s32 @p1 $0x1  }
0x15: {  	[smem:$0x3FB1] =	sst s0;
	s0 =	simm.s32 @!p2 $0x0  }
0x16: {  	s3 =	sld [smem:$0x3FDB];
	s0 =	simm.s32 @p2 $0x1  }
0x17: {  	s4 =	simm.s32 $0x1BF5;
	[smem:$0x3FB3] =	sst s0  }
0x18: {  	s0 =	sld [smem:$0x3F96];
	_ =	swait.ge [sflag:s4], $0x0  }
0x19: {  	s7 =	sld [smem:$0x3F97]  }
0x1a: {  	s8 =	sadd.s32 $0xFFFFE003, lr  }
0x1b: {  	s9 =	sadd.s32 $0xFFFFFEF7, lr;
	s5 =	simm.s32 $0xFFFFFFFF;
	p2 =	slt.u32 s8, $0xFFFFF086  }
0x1c: {  	p1 =	slt.u32 s9, $0xF7A;
	s5 =	simm.s32 @!p2 $0x0  }
0x1d: {  	s5 =	simm.s32 @p1 $0x1;
	p0 =	seq.s32 s7, s2  }
0x1e: {  	s7 =	smul.u32 @!p0 $0xF7A, s2;
	p2 =	seq.s32 @!p0 s5, $0x0  }
0x1f: {  	s9 =	smul.u32 $0xF7A, s1;
	s8 =	simm.s32 @!p0 $0x1BF5;
	p2 =	por !p2, p0  }
0x20: {  	[sflag:s8] =	ssyncset.s32 @!p0 $0xFFFFF086;
	s6 =	sadd.s32 @!p0 s3, s7;
	s7 =	simm.s32 @!p0 $0x108  }
0x21: {  	s3 =	sadd.s32 s3, s9;
	s6 =	sadd.s32 @!p0 $0x88, s6;
	s7 =	simm.s32 @p2 $0x1082  }
0x22: {  	[simem:s7], [sflag:s8] =	dma.local @!p0 [hbm:s6], $0xF7A  }
0x23: {  	s9 =	sor.u32 $0xD0000000, s2;
	s6 =	simm.s32 $0x108;
	_ =	swait.ge @!p0 [sflag:s8], $0x0  }
0x24: {  	s3 =	sadd.s32 $0x88, s3;
	s6 =	simm.s32 @!p1 $0x1082;
	[sflag:s4] =	ssyncset.s32 $0xFFFFF086  }
0x25: {  	[simem:s6], [sflag:s4] =	dma.local [hbm:s3], $0xF7A  }
0x26: {  	[smem:$0x3F97] =	sst s1;
	(tag) =	ssettag s2;
	_ =	strace s9  }
0x27: {  	s1 =	sld [smem:$0x3FA7]  }
0x28: {  	s2 =	sld [smem:$0x3FA8]  }
0x29: {  	s4 =	sld [smem:$0x3FAA]  }
0x2a: {  	p0 =	seq.s32 s5, $0x0;
	s5 =	sld [smem:$0x3FAB]  }
0x2b: {  	s6 =	sld [smem:$0x3FAC]  }
0x2c: {  	s7 =	sld [smem:$0x3FAD]  }
0x2d: {  	s3 =	simm.s32 $0x108;
	s8 =	sld [smem:$0x3FAE]  }
0x2e: {  	s3 =	simm.s32 @!p0 $0x1082;
	s9 =	sld [smem:$0x3FAF]  }
0x2f: {  	lr =	sadd.s32 s0, s3;
	s0 =	sld [smem:$0x3FA6]  }
0x30: {  	s3 =	sld [smem:$0x3FA9]  }
0x31: {  	[smem:$0x3FB2] =	sst s10  }
0x32: {  	s10 =	sld [smem:$0x3FB0];
	_ =	sdelay $0x3  }
0x33: {  	p0 =	seq.s32 s10, $0x1;
	s10 =	sld [smem:$0x3FB2];
	_ =	sdelay $0x3  }
0x34: {  	[smem:$0x3FB2] =	sst s10  }
0x35: {  	s10 =	sld [smem:$0x3FB1];
	_ =	sdelay $0x3  }
0x36: {  	p1 =	seq.s32 s10, $0x1;
	s10 =	sld [smem:$0x3FB2];
	_ =	sdelay $0x3  }
0x37: {  	[smem:$0x3FB2] =	sst s10  }
0x38: {  	s10 =	sld [smem:$0x3FB3]  }
0x39: {  	_ = 	snop;
	(pc) =	sbr.ind lr, $3  }
0x3a: {  	_ = 	snop  }
0x3b: {  	_ = 	snop  }
0x3c: {  	p2 =	seq.s32 s10, $0x1;
	s10 =	sld [smem:$0x3FB2]  }
0x3d: {  	_ =	shalt  }
0x3e: {  	_ =	shalt  }
0x3f: {  	_ =	shalt  }
0x40: {  	_ =	shalt  }
0x41: {  	_ =	shalt  }
0x42: {  	_ =	shalt  }
0x43: {  	_ =	shalt  }
0x44: {  	_ =	shalt  }
0x45: {  	_ =	shalt  }
0x46: {  	_ =	shalt  }
0x47: {  	_ =	shalt  }
0x48: {  	_ =	shalt  }
0x49: {  	_ =	shalt  }
0x4a: {  	_ =	shalt  }
0x4b: {  	_ =	shalt  }
0x4c: {  	_ =	shalt  }
0x4d: {  	_ =	shalt  }
0x4e: {  	_ =	shalt  }
0x4f: {  	_ =	shalt  }
0x50: {  	_ =	shalt  }
0x51: {  	_ =	shalt  }
0x52: {  	_ =	shalt  }
0x53: {  	_ =	shalt  }
0x54: {  	_ =	shalt  }
0x55: {  	_ =	shalt  }
0x56: {  	_ =	shalt  }
0x57: {  	_ =	shalt  }
0x58: {  	_ =	shalt  }
0x59: {  	_ =	shalt  }
0x5a: {  	_ =	shalt  }
0x5b: {  	_ =	shalt  }
0x5c: {  	_ =	shalt  }
0x5d: {  	_ =	shalt  }
0x5e: {  	_ =	shalt  }
0x5f: {  	_ =	shalt  }
0x60: {  	_ =	shalt  }
0x61: {  	_ =	shalt  }
0x62: {  	_ =	shalt  }
0x63: {  	_ =	shalt  }
0x64: {  	_ =	shalt  }
0x65: {  	_ =	shalt  }
0x66: {  	_ =	shalt  }
0x67: {  	_ =	shalt  }
0x68: {  	_ =	shalt  }
0x69: {  	_ =	shalt  }
0x6a: {  	_ =	shalt  }
0x6b: {  	_ =	shalt  }
0x6c: {  	_ =	shalt  }
0x6d: {  	_ =	shalt  }
0x6e: {  	_ =	shalt  }
0x6f: {  	_ =	shalt  }
0x70: {  	_ =	shalt  }
0x71: {  	_ =	shalt  }
0x72: {  	_ =	shalt  }
0x73: {  	_ =	shalt  }
0x74: {  	_ =	shalt  }
0x75: {  	_ =	shalt  }
0x76: {  	_ =	shalt  }
0x77: {  	_ =	shalt  }
0x78: {  	_ =	shalt  }
0x79: {  	_ =	shalt  }
0x7a: {  	_ =	shalt  }
0x7b: {  	_ =	shalt  }
0x7c: {  	_ =	shalt  }
0x7d: {  	_ =	shalt  }
0x7e: {  	_ =	shalt  }
0x7f: {  	_ =	shalt  }
0x80: {  	_ =	shalt  }
0x81: {  	_ =	shalt  }
0x82: {  	_ =	shalt  }
0x83: {  	_ =	shalt  }
0x84: {  	_ =	shalt  }
0x85: {  	_ =	shalt  }
0x86: {  	_ =	shalt  }
0x87: {  	_ =	shalt  }
.Lfunc_end0:
.L_simem_size_0:
called_computation_lowered:
.L_overlay_start_0:
0x88: {  	s2 =	sld [smem:$0x3FD9]  }
0x89: {  	s3 =	sld [smem:$0x3FFE];
	_ =	sdelay $0x1  }
0x8a: {  	s1 =	srdreg.scid  }
0x8b: {  	s0 =	sand.u32 $0x1, s1  }
0x8c: {  	s17 =	sshll.u32 s0, $0xA;
	s2 =	sadd.s32 s3, s2  }
0x8d: {  	s2 =	sadd.s32 s2, s17  }
0x8e: {  	[smem:$0x3FBE] =	sst s2  }
0x8f: {  	_ = 	snop  }
0x90: {  	s2 =	sld [smem:$0x3FC9];
	(tm) =	ssettm $0x1  }
0x91: {  	s18 =	sld [smem:$0x3FFB];
	_ =	sdelay $0x3  }
0x92: {  	_ =	strace s18  }
0x93: {  	s3 =	sld [smem:$0x3FFC];
	_ =	sdelay $0x3  }
0x94: {  	_ =	strace s3  }
0x95: {  	s3 =	sld [smem:$0x3FFD];
	_ =	sdelay $0x3  }
0x96: {  	_ =	strace s3  }
0x97: {  	_ =	strace $0x8FFFFFFF  }
0x98: {  	s19 =	sld [smem:$0x3FDB];
	_ =	sdelay $0x1  }
0x99: {  	s4 =	simm.s32 $_scs_section_size  }
0x9a: {  	s5 =	simm.s32 $_size__tile_overlayer_lowered;
	s6 =	simm.s32 $_tile_overlayer_lowered  }
0x9b: {  	s22 =	simm.s32 $0x1BFF;
	s21 =	sshll.u32 s6, $0x1;
	s3 =	sadd.s32 s4, s19  }
0x9c: {  	s7 =	simm.s32 $0x0;
	s20 =	sshll.u32 s5, $0x1;
	s5 =	sadd.s32 s21, s3  }
0x9d: {  	[timem:s7], [sflag:s22] =	dma.local [hbm:s5], s20  }
0x9e: {  	_ =	swait.ge [sflag:s22], s20  }
0x9f: {  	s4 =	ssub.s32 $0x0, s20;
	[sflag:s22] =	ssyncset.done $0x0  }
0xa0: {  	[sflag:s22] =	ssyncadd.s32 s4;
	_ =	sdelay $0x1  }
0xa1: {  	s23 =	simm.s32 $0x1B8B  }
0xa2: {  	_ =	swait.ge [sflag:s23], $0x1  }
0xa3: {  	[sflag:s23] =	ssyncset.done $0x0  }
0xa4: {  	s25 =	simm.s32 $0x1B8E;
	s24 =	sld [smem:$0x3FFE];
	[sflag:s23] =	ssyncadd.s32 $0xFFFFFFFF  }
0xa5: {  	s26 =	simm.s32 $execute0_lowered;
	[smem:$0x3FD2] =	sst s25  }
0xa6: {  	s5 =	sshll.u32 s26, $0x1;
	_ =	strace $0x80000046;
	[dreg:$0x1] =	wrdreg $0xFFFFFFFF  }
0xa7: {  	s28 =	simm.s32 $_size_execute0_lowered;
	s3 =	sadd.s32 s3, s5;
	[dreg:$0x0] =	wrdreg $0x0  }
0xa8: {  	s5 =	sshll.u32 s28, $0x1;
	[dreg:$0x2] =	wrdreg s3  }
0xa9: {  	[dreg:$0x3] =	wrdreg s5  }
0xaa: {  	[dreg:$0x4] =	wrdreg $0xC0  }
0xab: {  	_ =	task [dreg:s7], $0x5FFFF  }
0xac: {  	[dreg:$0x1] =	wrdreg $0xFFFFFFFF  }
0xad: {  	[dreg:$0x0] =	wrdreg $0x60  }
0xae: {  	[dreg:$0x2] =	wrdreg s2  }
0xaf: {  	[dreg:$0x3] =	wrdreg s24  }
0xb0: {  	[dreg:$0x4] =	wrdreg $0x9  }
0xb1: {  	_ =	task.clear_ibuf [dreg:s7], $0x5FFFF;
	_ =	strace $0x90000046  }
0xb2: {  	s29 =	simm.s32 $0x9;
	_ =	strace $0x80000048  }
0xb3: {  	_ =	swait.ge [sflag:s29], $0x1  }
0xb4: {  	[sflag:s29] =	ssyncadd.s32 $0xFFFFFFFF  }
0xb5: {  	_ =	strace $0x90000048  }
0xb6: {  	_ =	sfence  }
0xb7: {  	s30 =	sld [smem:$0x0];
	_ =	sdelay $0x2  }
0xb8: {  	s31 =	sshll.u32 s1, $0xD;
	s1 =	sshrl.u32 s1, $0x2  }
0xb9: {  	s3 =	sand.u32 $0x4000, s31;
	s1 =	sadd.s32 s1, s30  }
0xba: {  	s0 =	sor.u32 s3, s0;
	s1 =	sshll.u32 s1, $0x11  }
0xbb: {  	s0 =	sor.u32 s1, s0  }
0xbc: {  	s0 =	sadd.s32 $0x8F2B, s0  }
0xbd: {  	[sflag:s0] =	ssyncadd.remote.s32 $0x1  }
0xbe: {  	_ =	sfence.sel $0xFFFF  }
0xbf: {  	[dreg:$0x0] =	wrdreg $0xFFFFFFFF;
	(pc) =	sbr.abs _section_cstart, $3  }
0xc0: {  	[dreg:$0x1] =	wrdreg $0xFFFFFFFF  }
0xc1: {  	_ =	task.clear_ibuf [dreg:s7], $0x2FFFF;
	_ =	strace $0x9FFFFFFF  }
0xc2: {  	(tm) =	ssettm $0x7FFFFFFF  }
0xc3: {  	_ =	shalt  }
tec
execute0_lowered:
.L_overlay_start_1:
0x0: {  	(tag) =	ssettag $0x1  }
0x1: {  	s2 =	rddreg [dreg:$0x0];
	s1 =	srdreg.scid  }
0x2: {  	s0 =	stileid.u32;
	s4 =	rddreg [dreg:$0x1];
	s3 =	simm.s32 $0x0  }
0x3: {  	s9 =	simm.s32 $0x80;
	s10 =	simm.s32 $0x880;
	s11 =	simm.s32 $0x1080  }
0x4: {  	s12 =	simm.s32 $0x1880;
	s13 =	simm.s32 $0x2080;
	s14 =	simm.s32 $0x2880  }
0x5: {  	s15 =	simm.s32 $0x3080;
	s16 =	simm.s32 $0x3880;
	s17 =	simm.s32 $0x4080  }
0x6: {  	s18 =	simm.s32 $0x4880;
	s19 =	simm.s32 $0x1;
	s20 =	simm.s32 $0x5080  }
0x7: {  	s21 =	simm.s32 $0x5880;
	s22 =	simm.s32 $0x6080;
	s23 =	simm.s32 $0x6880  }
0x8: {  	s24 =	simm.s32 $0x7080;
	s25 =	simm.s32 $0x7880;
	s26 =	simm.s32 $0x8080  }
0x9: {  	s28 =	simm.s32 $0x8880;
	s29 =	simm.s32 $0x9080;
	s30 =	simm.s32 $0x9880  }
0xa: {  	s5 =	sand.u32 $0x1, s1;
	s6 =	sshll.u32 s0, $0x1;
	s1 =	rddreg [dreg:$0x2]  }
0xb: {  	[smem:$0x7FF] =	sst s3;
	s6 =	sor.u32 s5, s6;
	s5 =	ssub.s32 $0x2, s5  }
0xc: {  	s7 =	smul.u32 $0x1400, s6;
	s6 =	sshll.u32 s6, $0x5;
	s31 =	sshrl.u32 s5, $0x1  }
0xd: {  	v2 =	vlaneseq.u32;
	_ =	strace $0x80000047;
	s6 =	sadd.s32 s6, s4;
	s8 =	ssub.s32 s5, s31  }
0xe: {  	vm0 =	vmmov $0xffff;
	v1 =	vshrl.u32 v2, $0x3;
	s7 =	sadd.s32 s7, s4;
	s4 =	sadd.s32 $0x1200, s6;
	s5 =	sadd.s32 $0x1210, s6  }
0xf: {  	v0 =	vand.u32 $0x7, v2;
	v2 =	vor.u32 $0x8, v2;
	v1 =	vmul.u32 $0x8, v1;
	s6 =	sadd.s32 $0x1600, s7;
	s7 =	smax.u32 s8, $0x1;
	s8 =	simm.s32 $0x2  }
.LBB2_1:
0x10: {  	[tilespmem:s3], [sflag:$0x2] =	stream.linear.gather [hbm4b:s4+s3], $0x80, $0x38;
	[tilespmem:$0xA080] =	vst v63  }
0x11: {  	_ =	swait.ge [sflag:s8], $0x80  }
0x12: {  	[sflag:s8] =	ssyncset.done $0x0  }
0x13: {  	[sflag:s8] =	ssyncadd.s32 $0xFFFFFF80  }
0x14: {  	v3 =	vld [tilespmem:$0x0];
	_ =	sdelay $0x4  }
0x15: {  	v4 =	vshll.u32 v3, $0x1  }
0x16: {  	v3 =	vand.u32 $0x7, v3;
	v4 =	vand.u32 $0xFFFFFFF0, v4  }
0x17: {  	v3 =	vor.u32 v3, v4  }
0x18: {  	v4 =	vperm.xlane v3, v0;
	_ =	sdelay $0x1  }
0x19: {  	v3 =	vperm.xlane v3, v2;
	v4 =	vadd.s32 v1, v4;
	_ =	sdelay $0x1  }
0x1a: {  	v3 =	vadd.s32 v1, v3;
	_ =	sdelay $0x2  }
0x1b: {  	[tilespmem:s9], [sflag:$0x1] =	stream.indirect_vreg.gather [hbm4b:s2+s3], $0x80, v4, vm0, $0xb8;
	[tilespmem:$0xA080] =	vst v63  }
0x1c: {  	_ = 	snop  }
0x1d: {  	[tilespmem:s10], [sflag:$0x1] =	stream.indirect_vreg.gather [hbm4b:s2+s3], $0x80, v3, vm0, $0xb8;
	[tilespmem:$0xA080] =	vst v63  }
0x1e: {  	v3 =	vld [tilespmem:$0x10];
	_ =	sdelay $0x4  }
0x1f: {  	v55 =	vshll.u32 v3, $0x1  }
0x20: {  	v3 =	vand.u32 $0x7, v3;
	v4 =	vand.u32 $0xFFFFFFF0, v55  }
0x21: {  	v3 =	vor.u32 v3, v4  }
0x22: {  	v4 =	vperm.xlane v3, v0;
	_ =	sdelay $0x1  }
0x23: {  	v3 =	vperm.xlane v3, v2;
	v4 =	vadd.s32 v1, v4;
	_ =	sdelay $0x1  }
0x24: {  	v3 =	vadd.s32 v1, v3;
	_ =	sdelay $0x2  }
0x25: {  	[tilespmem:s11], [sflag:$0x1] =	stream.indirect_vreg.gather [hbm4b:s2+s3], $0x80, v4, vm0, $0xb8;
	[tilespmem:$0xA080] =	vst v63  }
0x26: {  	_ = 	snop  }
0x27: {  	[tilespmem:s12], [sflag:$0x1] =	stream.indirect_vreg.gather [hbm4b:s2+s3], $0x80, v3, vm0, $0xb8;
	[tilespmem:$0xA080] =	vst v63  }
0x28: {  	v3 =	vld [tilespmem:$0x20];
	_ =	sdelay $0x4  }
0x29: {  	v56 =	vshll.u32 v3, $0x1  }
0x2a: {  	v3 =	vand.u32 $0x7, v3;
	v4 =	vand.u32 $0xFFFFFFF0, v56  }
0x2b: {  	v3 =	vor.u32 v3, v4  }
0x2c: {  	v4 =	vperm.xlane v3, v0;
	_ =	sdelay $0x1  }
0x2d: {  	v3 =	vperm.xlane v3, v2;
	v4 =	vadd.s32 v1, v4;
	_ =	sdelay $0x1  }
0x2e: {  	v3 =	vadd.s32 v1, v3;
	_ =	sdelay $0x2  }
0x2f: {  	[tilespmem:s13], [sflag:$0x1] =	stream.indirect_vreg.gather [hbm4b:s2+s3], $0x80, v4, vm0, $0xb8;
	[tilespmem:$0xA080] =	vst v63  }
0x30: {  	_ = 	snop  }
0x31: {  	[tilespmem:s14], [sflag:$0x1] =	stream.indirect_vreg.gather [hbm4b:s2+s3], $0x80, v3, vm0, $0xb8;
	[tilespmem:$0xA080] =	vst v63  }
0x32: {  	v3 =	vld [tilespmem:$0x30];
	_ =	sdelay $0x4  }
0x33: {  	v57 =	vshll.u32 v3, $0x1  }
0x34: {  	v3 =	vand.u32 $0x7, v3;
	v4 =	vand.u32 $0xFFFFFFF0, v57  }
0x35: {  	v3 =	vor.u32 v3, v4  }
0x36: {  	v4 =	vperm.xlane v3, v0;
	_ =	sdelay $0x1  }
0x37: {  	v3 =	vperm.xlane v3, v2;
	v4 =	vadd.s32 v1, v4;
	_ =	sdelay $0x1  }
0x38: {  	v3 =	vadd.s32 v1, v3;
	_ =	sdelay $0x2  }
0x39: {  	[tilespmem:s15], [sflag:$0x1] =	stream.indirect_vreg.gather [hbm4b:s2+s3], $0x80, v4, vm0, $0xb8;
	[tilespmem:$0xA080] =	vst v63  }
0x3a: {  	_ = 	snop  }
0x3b: {  	[tilespmem:s16], [sflag:$0x1] =	stream.indirect_vreg.gather [hbm4b:s2+s3], $0x80, v3, vm0, $0xb8;
	[tilespmem:$0xA080] =	vst v63  }
0x3c: {  	v3 =	vld [tilespmem:$0x40];
	_ =	sdelay $0x4  }
0x3d: {  	v58 =	vshll.u32 v3, $0x1  }
0x3e: {  	v3 =	vand.u32 $0x7, v3;
	v4 =	vand.u32 $0xFFFFFFF0, v58  }
0x3f: {  	v3 =	vor.u32 v3, v4  }
0x40: {  	v4 =	vperm.xlane v3, v0;
	_ =	sdelay $0x1  }
0x41: {  	v3 =	vperm.xlane v3, v2;
	v4 =	vadd.s32 v1, v4;
	_ =	sdelay $0x1  }
0x42: {  	v3 =	vadd.s32 v1, v3;
	_ =	sdelay $0x2  }
0x43: {  	[tilespmem:s17], [sflag:$0x1] =	stream.indirect_vreg.gather [hbm4b:s2+s3], $0x80, v4, vm0, $0xb8;
	[tilespmem:$0xA080] =	vst v63  }
0x44: {  	_ = 	snop  }
0x45: {  	[tilespmem:s18], [sflag:$0x1] =	stream.indirect_vreg.gather [hbm4b:s2+s3], $0x80, v3, vm0, $0xb8;
	[tilespmem:$0xA080] =	vst v63  }
0x46: {  	_ =	swait.ge [sflag:s19], $0x5000  }
0x47: {  	[sflag:s19] =	ssyncset.done $0x0  }
0x48: {  	[sflag:s19] =	ssyncadd.s32 $0xFFFFB000  }
0x49: {  	[tilespmem:s3], [sflag:$0x2] =	stream.linear.gather [hbm4b:s5+s3], $0x80, $0x38;
	[tilespmem:$0xA080] =	vst v63  }
0x4a: {  	_ =	swait.ge [sflag:s8], $0x80  }
0x4b: {  	[sflag:s8] =	ssyncset.done $0x0  }
0x4c: {  	[sflag:s8] =	ssyncadd.s32 $0xFFFFFF80  }
0x4d: {  	v3 =	vld [tilespmem:$0x0];
	_ =	sdelay $0x4  }
0x4e: {  	v59 =	vshll.u32 v3, $0x1  }
0x4f: {  	v3 =	vand.u32 $0x7, v3;
	v4 =	vand.u32 $0xFFFFFFF0, v59  }
0x50: {  	v3 =	vor.u32 v3, v4  }
0x51: {  	v4 =	vperm.xlane v3, v0;
	_ =	sdelay $0x1  }
0x52: {  	v3 =	vperm.xlane v3, v2;
	v4 =	vadd.s32 v1, v4;
	_ =	sdelay $0x1  }
0x53: {  	v3 =	vadd.s32 v1, v3;
	_ =	sdelay $0x2  }
0x54: {  	[tilespmem:s20], [sflag:$0x1] =	stream.indirect_vreg.gather [hbm4b:s2+s3], $0x80, v4, vm0, $0xb8;
	[tilespmem:$0xA080] =	vst v63  }
0x55: {  	_ = 	snop  }
0x56: {  	[tilespmem:s21], [sflag:$0x1] =	stream.indirect_vreg.gather [hbm4b:s2+s3], $0x80, v3, vm0, $0xb8;
	[tilespmem:$0xA080] =	vst v63  }
0x57: {  	v3 =	vld [tilespmem:$0x10];
	_ =	sdelay $0x4  }
0x58: {  	v60 =	vshll.u32 v3, $0x1  }
0x59: {  	v3 =	vand.u32 $0x7, v3;
	v4 =	vand.u32 $0xFFFFFFF0, v60  }
0x5a: {  	v3 =	vor.u32 v3, v4  }
0x5b: {  	v4 =	vperm.xlane v3, v0;
	_ =	sdelay $0x1  }
0x5c: {  	v3 =	vperm.xlane v3, v2;
	v4 =	vadd.s32 v1, v4;
	_ =	sdelay $0x1  }
0x5d: {  	v3 =	vadd.s32 v1, v3;
	_ =	sdelay $0x2  }
0x5e: {  	[tilespmem:s22], [sflag:$0x1] =	stream.indirect_vreg.gather [hbm4b:s2+s3], $0x80, v4, vm0, $0xb8;
	[tilespmem:$0xA080] =	vst v63  }
0x5f: {  	_ = 	snop  }
0x60: {  	[tilespmem:s23], [sflag:$0x1] =	stream.indirect_vreg.gather [hbm4b:s2+s3], $0x80, v3, vm0, $0xb8;
	[tilespmem:$0xA080] =	vst v63  }
0x61: {  	v3 =	vld [tilespmem:$0x20];
	_ =	sdelay $0x4  }
0x62: {  	v61 =	vshll.u32 v3, $0x1  }
0x63: {  	v3 =	vand.u32 $0x7, v3;
	v4 =	vand.u32 $0xFFFFFFF0, v61  }
0x64: {  	v3 =	vor.u32 v3, v4  }
0x65: {  	v4 =	vperm.xlane v3, v0;
	_ =	sdelay $0x1  }
0x66: {  	v3 =	vperm.xlane v3, v2;
	v4 =	vadd.s32 v1, v4;
	_ =	sdelay $0x1  }
0x67: {  	v3 =	vadd.s32 v1, v3;
	_ =	sdelay $0x2  }
0x68: {  	[tilespmem:s24], [sflag:$0x1] =	stream.indirect_vreg.gather [hbm4b:s2+s3], $0x80, v4, vm0, $0xb8;
	[tilespmem:$0xA080] =	vst v63  }
0x69: {  	_ = 	snop  }
0x6a: {  	[tilespmem:s25], [sflag:$0x1] =	stream.indirect_vreg.gather [hbm4b:s2+s3], $0x80, v3, vm0, $0xb8;
	[tilespmem:$0xA080] =	vst v63  }
0x6b: {  	v3 =	vld [tilespmem:$0x30];
	_ =	sdelay $0x4  }
0x6c: {  	v62 =	vshll.u32 v3, $0x1  }
0x6d: {  	v3 =	vand.u32 $0x7, v3;
	v4 =	vand.u32 $0xFFFFFFF0, v62  }
0x6e: {  	v3 =	vor.u32 v3, v4  }
0x6f: {  	v4 =	vperm.xlane v3, v0;
	_ =	sdelay $0x1  }
0x70: {  	v3 =	vperm.xlane v3, v2;
	v4 =	vadd.s32 v1, v4;
	_ =	sdelay $0x1  }
0x71: {  	v3 =	vadd.s32 v1, v3;
	_ =	sdelay $0x2  }
0x72: {  	[tilespmem:s26], [sflag:$0x1] =	stream.indirect_vreg.gather [hbm4b:s2+s3], $0x80, v4, vm0, $0xb8;
	[tilespmem:$0xA080] =	vst v63  }
0x73: {  	_ = 	snop  }
0x74: {  	[tilespmem:s28], [sflag:$0x1] =	stream.indirect_vreg.gather [hbm4b:s2+s3], $0x80, v3, vm0, $0xb8;
	[tilespmem:$0xA080] =	vst v63  }
0x75: {  	v3 =	vld [tilespmem:$0x40];
	_ =	sdelay $0x4  }
0x76: {  	v63 =	vshll.u32 v3, $0x1  }
0x77: {  	v3 =	vand.u32 $0x7, v3;
	v4 =	vand.u32 $0xFFFFFFF0, v63  }
0x78: {  	v3 =	vor.u32 v3, v4  }
0x79: {  	v4 =	vperm.xlane v3, v0;
	_ =	sdelay $0x1  }
0x7a: {  	v3 =	vperm.xlane v3, v2;
	v4 =	vadd.s32 v1, v4;
	_ =	sdelay $0x1  }
0x7b: {  	v3 =	vadd.s32 v1, v3;
	_ =	sdelay $0x2  }
0x7c: {  	[tilespmem:s29], [sflag:$0x1] =	stream.indirect_vreg.gather [hbm4b:s2+s3], $0x80, v4, vm0, $0xb8;
	[tilespmem:$0xA080] =	vst v63  }
0x7d: {  	_ = 	snop  }
0x7e: {  	[tilespmem:s30], [sflag:$0x1] =	stream.indirect_vreg.gather [hbm4b:s2+s3], $0x80, v3, vm0, $0xb8;
	[tilespmem:$0xA080] =	vst v63  }
0x7f: {  	_ =	swait.ge [sflag:s19], $0x5000  }
0x80: {  	p0 =	sne.s32 s7, $0x1;
	[sflag:s19] =	ssyncset.done $0x0  }
.Ltmp0:
0x81: {  	[sflag:s19] =	ssyncadd.s32 $0xFFFFB000;
	(pc) =	sbr.rel @p0 .LBB2_1-.Ltmp0, $4  }
0x82: {  	[hbm4b:s6+s3] =	stream.linear.scatter [tilespmem:s9], [sflag:$0x2], $0xA000, $0x38;
	[tilespmem:$0xA080] =	vst v63  }
0x83: {  	_ =	swait.ge [sflag:s8], $0xA000  }
0x84: {  	[sflag:s8] =	ssyncset.done $0x0  }
0x85: {  	s7 =	sadd.s32 $0xFFFFFFFF, s7;
	[sflag:s8] =	ssyncadd.s32 $0xFFFF6000  }
0x86: {  	_ =	sfence.sel $0x180000  }
0x87: {  	[bflag:$0x0] =	sbarrier.arrive $0xFFFF  }
0x88: {  	p0 =	sne.s32 s0, $0x0;
	_ =	strace $0x90000047  }
0x89: {  	s0 =	sadd.s32 @!p0 $0x100000, s1;
	[bflag:$0x2] =	sbarrier.arrive $0xFFFF  }
0x8a: {  	[sflag:s0] =	ssyncadd.tile.s32 @!p0 $0x1;
	_ =	shalt  }
.Lfunc_end2:
_tile_overlayer_lowered:
.L_overlay_start_2:
0x8b: {  	(tag) =	ssettag $0x2  }
0x8c: {  	s0 =	rddreg [dreg:$0x0];
	s2 =	stileid.u32  }
0x8d: {  	s1 =	rddreg [dreg:$0x1];
	p0 =	sne.s32 s2, $0x0  }
0x8e: {  	s3 =	rddreg [dreg:$0x2];
	[bflag:$0x3] =	sbarrier.arrive $0xFFFF;
	s2 =	simm.s32 @!p0 $0x1C02  }
0x8f: {  	[timem:s3], [sflag:s2] =	dma.local @!p0 [hbm:s0], s1  }
0x90: {  	s0 =	simm.s32 @!p0 $0x2  }
0x91: {  	_ =	swait.ge @!p0 [sflag:s0], s1  }
0x92: {  	s1 =	ssub.s32 @!p0 $0x0, s1;
	[sflag:s0] =	ssyncset.done @!p0 $0x0  }
0x93: {  	[sflag:s0] =	ssyncadd.s32 @!p0 s1  }
0x94: {  	[bflag:$0x3] =	sbarrier.arrive $0xFFFF  }
0x95: {  	_ =	shalt  }

</sc_bundles>
